<compile_context>
chip_gen: v7x
topology: tpu7x:2x2x1
jax: 0.10.2.dev20260603
libtpu: 0.0.44.dev20260713+nightly
codegen_flags: <defaults>
</compile_context>

<pallas_src>
import math

import jax
import jax.numpy as jnp
from jax import lax
from jax.experimental import pallas as pl
from jax.experimental.pallas import tpu as pltpu
from jax.experimental.pallas import tpu_sc as plsc

_VOCAB = 256
_D = 2048
_SCALE = math.sqrt(_D)

_NC = 2
_NS = 16
_NW = _NC * _NS

_C = 16
_RB = 1024

_SC_FRAC_NUM = 1
_SC_FRAC_DEN = 2


def _prescale_body(t_ref, of_ref, ob_ref):
    row = lax.broadcasted_iota(jnp.int32, (_VOCAB, _D), 0)
    v = jnp.where(row == 0, 0.0, t_ref[...] * _SCALE)
    of_ref[...] = v
    ob_ref[...] = v.astype(jnp.bfloat16)


def _prescale(table):
    return pl.pallas_call(
        _prescale_body,
        out_shape=[
            jax.ShapeDtypeStruct((_VOCAB, _D), jnp.float32),
            jax.ShapeDtypeStruct((_VOCAB, _D), jnp.bfloat16),
        ],
    )(table)


def _gather_body(tbl_hbm, idx_hbm, out_hbm, idx_v, buf0, buf1, gs0, gs1,
                 ss0, ss1):
    wid = lax.axis_index("s") * _NC + lax.axis_index("c")
    bpw = idx_hbm.shape[0] // _NW
    base = wid * bpw
    nch = bpw // _C
    bufs = (buf0, buf1)
    gsems = (gs0, gs1)
    ssems = (ss0, ss1)

    pltpu.sync_copy(idx_hbm.at[pl.ds(base, bpw)], idx_v)

    def gather_start(c, b):
        iv = idx_v[pl.ds(c * _C, _C)]
        pltpu.async_copy(tbl_hbm.at[iv], bufs[b], gsems[b])

    def gather_wait(b):
        iv = idx_v[pl.ds(0, _C)]
        pltpu.make_async_copy(tbl_hbm.at[iv], bufs[b], gsems[b]).wait()

    def scatter_start(c, b):
        pltpu.async_copy(bufs[b], out_hbm.at[pl.ds(base + c * _C, _C)],
                         ssems[b])

    def scatter_wait(b):
        pltpu.make_async_copy(bufs[b], out_hbm.at[pl.ds(base, _C)],
                              ssems[b]).wait()

    gather_start(0, 0)

    def pair(g, carry):
        for b in range(2):
            c = g + b
            nb = (b + 1) % 2
            @pl.when(c > 0)
            def _():
                scatter_wait(nb)

            @pl.when(c + 1 < nch)
            def _():
                gather_start(c + 1, nb)

            gather_wait(b)
            scatter_start(c, b)
        return carry

    lax.fori_loop(0, nch // 2, lambda i, cr: pair(i * 2, cr), 0)
    scatter_wait((nch - 1) % 2)


def _sc_gather(table_f32, idx_sc, n_total):
    mesh = plsc.VectorSubcoreMesh(core_axis_name="c", subcore_axis_name="s")
    bpw = idx_sc.shape[0] // _NW
    return pl.kernel(
        _gather_body,
        out_type=jax.ShapeDtypeStruct((n_total, _D), jnp.float32),
        mesh=mesh,
        scratch_types=[
            pltpu.VMEM((bpw,), jnp.int32),
            pltpu.VMEM((_C, _D), jnp.float32),
            pltpu.VMEM((_C, _D), jnp.float32),
            pltpu.SemaphoreType.DMA,
            pltpu.SemaphoreType.DMA,
            pltpu.SemaphoreType.DMA,
            pltpu.SemaphoreType.DMA,
        ],
    )(table_f32, idx_sc)


def _tc_body(part_ref, idx_ref, tbl_ref, o_ref):
    del part_ref
    idx = idx_ref[0, 0, :]
    ids = idx.reshape(_RB, 1)
    col = lax.broadcasted_iota(jnp.int32, (_RB, _VOCAB), 1)
    oh = (ids == col).astype(jnp.bfloat16)
    o_ref[...] = jnp.dot(oh, tbl_ref[...],
                         preferred_element_type=jnp.float32)


def _tc_fill(sc_out, tbl_bf, idx3, blk_off):
    n = sc_out.shape[0]
    nb_tc = idx3.shape[0] - blk_off
    return pl.pallas_call(
        _tc_body,
        grid=(nb_tc,),
        in_specs=[
            pl.BlockSpec(memory_space=pl.ANY),
            pl.BlockSpec((1, 1, _RB), lambda i: (i + blk_off, 0, 0)),
            pl.BlockSpec((_VOCAB, _D), lambda i: (0, 0)),
        ],
        out_specs=pl.BlockSpec((_RB, _D), lambda i: (i + blk_off, 0)),
        out_shape=jax.ShapeDtypeStruct((n, _D), jnp.float32),
        input_output_aliases={0: 0},
    )(sc_out, idx3, tbl_bf)


@jax.jit
def kernel(x, table):
    b, s = x.shape
    idx = x.reshape(-1).astype(jnp.int32)
    n = idx.shape[0]
    m_sc = (n * _SC_FRAC_NUM // _SC_FRAC_DEN) // (_NW * _C) * (_NW * _C)

    table_f32, table_bf = _prescale(table)
    sc_out = _sc_gather(table_f32, idx[:m_sc], n)
    idx3 = idx.reshape(n // _RB, 1, _RB)
    out = _tc_fill(sc_out, table_bf, idx3, m_sc // _RB)
    return out.reshape(b, s, _D)

# --- scband reference (transcript-rebuilt; emitter-appended) ---
"""Pipeline reference for scband-byte-embedding-31679678775724 (READ-ONLY COPY).

The authoritative reference and input builder live on the scoring server;
editing this copy changes nothing except your own understanding.
"""

import math
import jax, jax.numpy as jnp
import numpy as np

VOCAB = 256
D_MODEL = 2048

def setup_inputs(seed: int = 0) -> dict:
    key = jax.random.key(seed)
    k1, k2 = jax.random.split(key)
    x = jax.random.randint(k1, (4, 4096), 0, VOCAB, dtype=jnp.int64) if jax.config.jax_enable_x64 else jax.random.randint(k1, (4, 4096), 0, VOCAB, dtype=jnp.int32)
    table = jax.random.normal(k2, (VOCAB, D_MODEL), dtype=jnp.float32)
    return {"x": x, "table": table}

def reference(x, table):
    # padding_idx=0: row 0 of the embedding table acts as an all-zero embedding
    table_eff = table.at[0].set(0.0)
    scale = math.sqrt(D_MODEL)
    emb = jnp.take(table_eff, x, axis=0)  # (batch, seq_len, d_model)
    return emb * scale

if __name__ == "__main__":
    import jax
    _d = setup_inputs()
    print(jax.jit(kernel)(*tuple(_d.values())))

</pallas_src>

<mosaic_0001>
#map = affine_map<(d0, d1) -> (0, 0)>
#map1 = affine_map<(d0, d1) -> (0)>
module attributes {stable_mosaic.version = 14 : i64} {
  func.func @_gather_body(%arg0: i32, %arg1: i32, %arg2: memref<256x2048xf32, #tpu.memory_space<hbm>>, %arg3: memref<8192xi32, #tpu.memory_space<hbm>>, %arg4: memref<16384x2048xf32, #tpu.memory_space<hbm>>, %arg5: memref<256xi32, #tpu.memory_space<vmem>>, %arg6: memref<16x2048xf32, #tpu.memory_space<vmem>>, %arg7: memref<16x2048xf32, #tpu.memory_space<vmem>>, %arg8: memref<!tpu.dma_semaphore, #tpu.memory_space<semaphore_mem>>, %arg9: memref<!tpu.dma_semaphore, #tpu.memory_space<semaphore_mem>>, %arg10: memref<!tpu.dma_semaphore, #tpu.memory_space<semaphore_mem>>, %arg11: memref<!tpu.dma_semaphore, #tpu.memory_space<semaphore_mem>>) attributes {dimension_semantics = [#tpu.dimension_semantics<core_parallel>, #tpu.dimension_semantics<subcore_parallel>], iteration_bounds = array<i64: 2, 16>, scalar_prefetch = 0 : i64, scratch_operands = 7 : i64, tpu.core_type = #tpu.core_type<sc_vector_subcore>, window_params = [{transform_indices = #map}, {transform_indices = #map1}, {transform_indices = #map}]} {
    %mul3A = arith.constant 2 : i32
    %mul3A_0 = arith.muli %arg1, %mul3A : i32
    %add3A = arith.addi %mul3A_0, %arg0 : i32
    %mul3A_1 = arith.constant 256 : i32
    %mul3A_2 = arith.muli %add3A, %mul3A_1 : i32
    "tpu.region"() ({
      %run_scoped3A = tpu.sem_alloc : memref<!tpu.dma_semaphore, #tpu.memory_space<semaphore_mem>>
      %dma_start3A_15 = tpu.memref_slice %arg3[%mul3A_2] : memref<8192xi32, #tpu.memory_space<hbm>> -> memref<256xi32, #tpu.memory_space<hbm>>
      %dma_start3A_16 = tpu.memref_slice %arg3[%mul3A_2] : memref<8192xi32, #tpu.memory_space<hbm>> -> memref<256xi32, #tpu.memory_space<hbm>>
      tpu.enqueue_dma source(%dma_start3A_16 : memref<256xi32, #tpu.memory_space<hbm>>) target(%arg5 : memref<256xi32, #tpu.memory_space<vmem>>) target_semaphore(%run_scoped3A : memref<!tpu.dma_semaphore, #tpu.memory_space<semaphore_mem>>)
      %dma_wait3A_17 = tpu.memref_slice %arg3[%mul3A_2] : memref<8192xi32, #tpu.memory_space<hbm>> -> memref<256xi32, #tpu.memory_space<hbm>>
      %dma_wait3A_18 = tpu.memref_slice %arg3[%mul3A_2] : memref<8192xi32, #tpu.memory_space<hbm>> -> memref<256xi32, #tpu.memory_space<hbm>>
      tpu.wait_dma2 semaphore(%run_scoped3A : memref<!tpu.dma_semaphore, #tpu.memory_space<semaphore_mem>>) src(%dma_wait3A_18 : memref<256xi32, #tpu.memory_space<hbm>>) dst(%arg5 : memref<256xi32, #tpu.memory_space<vmem>>)
      tpu.yield
    }) : () -> ()
    %get3A = arith.constant 0 : index
    %get3A_3 = tpu.vector_load %arg5[%get3A] {strides = array<i32>} : memref<256xi32, #tpu.memory_space<vmem>>, vector<16xi32>,
    %get3A_4 = vector.shape_cast %get3A_3 : vector<16xi32> to vector<16xi32>
    %dma_start3A = arith.constant 0 : i32
    %dma_start3A_5 = arith.constant 0 : i32
    %dma_start3A_6 = tpu.memref_slice %arg2[%dma_start3A, %dma_start3A_5] : memref<256x2048xf32, #tpu.memory_space<hbm>> -> memref<256x2048xf32, #tpu.memory_space<hbm>>
    tpu.enqueue_indirect_dma source(%dma_start3A_6 : memref<256x2048xf32, #tpu.memory_space<hbm>>) target(%arg6 : memref<16x2048xf32, #tpu.memory_space<vmem>>) offsets(%get3A_4 : vector<16xi32>) semaphore(%arg8 : memref<!tpu.dma_semaphore, #tpu.memory_space<semaphore_mem>>)
    %scan3A = arith.constant 0 : i32
    %scan3A_7 = arith.constant 0 : i32
    %scan3A_8 = arith.constant 8 : i32
    %scan3A_9 = arith.addi %scan3A_7, %scan3A_8 : i32
    %scan3A_10 = arith.constant 1 : i32
    scf.for %scan3A_15 = %scan3A_7 to %scan3A_9 step %scan3A_10  : i32 {
      %mul3A_16 = arith.constant 2 : i32
      %mul3A_17 = arith.muli %scan3A_15, %mul3A_16 : i32
      %add3A_18 = arith.constant 0 : i32
      %add3A_19 = arith.addi %mul3A_17, %add3A_18 : i32
      %gt3A = arith.constant 0 : i32
      %gt3A_20 = arith.cmpi sgt, %add3A_19, %gt3A : i32
      %convert_element_type3A = arith.extui %gt3A_20 : i1 to i32
      %cond3A = arith.constant 0 : i32
      %cond3A_21 = arith.cmpi ne, %convert_element_type3A, %cond3A : i32
      scf.if %cond3A_21 {
        %dma_wait3A_68 = arith.constant 0 : i32
        %dma_wait3A_69 = tpu.memref_slice %arg4[%mul3A_2, %dma_wait3A_68] : memref<16384x2048xf32, #tpu.memory_space<hbm>> -> memref<16x2048xf32, #tpu.memory_space<hbm>>
        %dma_wait3A_70 = arith.constant 0 : i32
        %dma_wait3A_71 = tpu.memref_slice %arg4[%mul3A_2, %dma_wait3A_70] : memref<16384x2048xf32, #tpu.memory_space<hbm>> -> memref<16x2048xf32, #tpu.memory_space<hbm>>
        tpu.wait_dma2 semaphore(%arg11 : memref<!tpu.dma_semaphore, #tpu.memory_space<semaphore_mem>>) src(%arg7 : memref<16x2048xf32, #tpu.memory_space<vmem>>) dst(%dma_wait3A_71 : memref<16x2048xf32, #tpu.memory_space<hbm>>)
      } else {
      }
      %add3A_22 = arith.constant 1 : i32
      %add3A_23 = arith.addi %add3A_19, %add3A_22 : i32
      %lt3A = arith.constant 16 : i32
      %lt3A_24 = arith.cmpi slt, %add3A_23, %lt3A : i32
      %convert_element_type3A_25 = arith.extui %lt3A_24 : i1 to i32
      %cond3A_26 = arith.constant 0 : i32
      %cond3A_27 = arith.cmpi ne, %convert_element_type3A_25, %cond3A_26 : i32
      scf.if %cond3A_27 {
        %add3A_68 = arith.constant 1 : i32
        %add3A_69 = arith.addi %add3A_19, %add3A_68 : i32
        %mul3A_70 = arith.constant 16 : i32
        %mul3A_71 = arith.muli %add3A_69, %mul3A_70 : i32
        %get3A_72 = arith.index_cast %mul3A_71 : i32 to index
        %get3A_73 = tpu.vector_load %arg5[%get3A_72] {strides = array<i32>} : memref<256xi32, #tpu.memory_space<vmem>>, vector<16xi32>,
        %get3A_74 = vector.shape_cast %get3A_73 : vector<16xi32> to vector<16xi32>
        %dma_start3A_75 = arith.constant 0 : i32
        %dma_start3A_76 = arith.constant 0 : i32
        %dma_start3A_77 = tpu.memref_slice %arg2[%dma_start3A_75, %dma_start3A_76] : memref<256x2048xf32, #tpu.memory_space<hbm>> -> memref<256x2048xf32, #tpu.memory_space<hbm>>
        tpu.enqueue_indirect_dma source(%dma_start3A_77 : memref<256x2048xf32, #tpu.memory_space<hbm>>) target(%arg7 : memref<16x2048xf32, #tpu.memory_space<vmem>>) offsets(%get3A_74 : vector<16xi32>) semaphore(%arg9 : memref<!tpu.dma_semaphore, #tpu.memory_space<semaphore_mem>>)
      } else {
      }
      %get3A_28 = arith.constant 0 : index
      %get3A_29 = tpu.vector_load %arg5[%get3A_28] {strides = array<i32>} : memref<256xi32, #tpu.memory_space<vmem>>, vector<16xi32>,
      %get3A_30 = vector.shape_cast %get3A_29 : vector<16xi32> to vector<16xi32>
      %dma_wait3A_31 = arith.constant 0 : i32
      %dma_wait3A_32 = arith.constant 0 : i32
      %dma_wait3A_33 = tpu.memref_slice %arg2[%dma_wait3A_31, %dma_wait3A_32] : memref<256x2048xf32, #tpu.memory_space<hbm>> -> memref<256x2048xf32, #tpu.memory_space<hbm>>
      tpu.wait_indirect_dma semaphore(%arg8 : memref<!tpu.dma_semaphore, #tpu.memory_space<semaphore_mem>>) src(%dma_wait3A_33 : memref<256x2048xf32, #tpu.memory_space<hbm>>) dst(%arg6 : memref<16x2048xf32, #tpu.memory_space<vmem>>)
      %mul3A_34 = arith.constant 16 : i32
      %mul3A_35 = arith.muli %add3A_19, %mul3A_34 : i32
      %add3A_36 = arith.addi %mul3A_2, %mul3A_35 : i32
      %dma_start3A_37 = arith.constant 0 : i32
      %dma_start3A_38 = tpu.memref_slice %arg4[%add3A_36, %dma_start3A_37] : memref<16384x2048xf32, #tpu.memory_space<hbm>> -> memref<16x2048xf32, #tpu.memory_space<hbm>>
      %dma_start3A_39 = arith.constant 0 : i32
      %dma_start3A_40 = tpu.memref_slice %arg4[%add3A_36, %dma_start3A_39] : memref<16384x2048xf32, #tpu.memory_space<hbm>> -> memref<16x2048xf32, #tpu.memory_space<hbm>>
      tpu.enqueue_dma source(%arg6 : memref<16x2048xf32, #tpu.memory_space<vmem>>) target(%dma_start3A_40 : memref<16x2048xf32, #tpu.memory_space<hbm>>) target_semaphore(%arg10 : memref<!tpu.dma_semaphore, #tpu.memory_space<semaphore_mem>>)
      %add3A_41 = arith.constant 1 : i32
      %add3A_42 = arith.addi %mul3A_17, %add3A_41 : i32
      %gt3A_43 = arith.constant 0 : i32
      %gt3A_44 = arith.cmpi sgt, %add3A_42, %gt3A_43 : i32
      %convert_element_type3A_45 = arith.extui %gt3A_44 : i1 to i32
      %cond3A_46 = arith.constant 0 : i32
      %cond3A_47 = arith.cmpi ne, %convert_element_type3A_45, %cond3A_46 : i32
      scf.if %cond3A_47 {
        %dma_wait3A_68 = arith.constant 0 : i32
        %dma_wait3A_69 = tpu.memref_slice %arg4[%mul3A_2, %dma_wait3A_68] : memref<16384x2048xf32, #tpu.memory_space<hbm>> -> memref<16x2048xf32, #tpu.memory_space<hbm>>
        %dma_wait3A_70 = arith.constant 0 : i32
        %dma_wait3A_71 = tpu.memref_slice %arg4[%mul3A_2, %dma_wait3A_70] : memref<16384x2048xf32, #tpu.memory_space<hbm>> -> memref<16x2048xf32, #tpu.memory_space<hbm>>
        tpu.wait_dma2 semaphore(%arg10 : memref<!tpu.dma_semaphore, #tpu.memory_space<semaphore_mem>>) src(%arg6 : memref<16x2048xf32, #tpu.memory_space<vmem>>) dst(%dma_wait3A_71 : memref<16x2048xf32, #tpu.memory_space<hbm>>)
      } else {
      }
      %add3A_48 = arith.constant 1 : i32
      %add3A_49 = arith.addi %add3A_42, %add3A_48 : i32
      %lt3A_50 = arith.constant 16 : i32
      %lt3A_51 = arith.cmpi slt, %add3A_49, %lt3A_50 : i32
      %convert_element_type3A_52 = arith.extui %lt3A_51 : i1 to i32
      %cond3A_53 = arith.constant 0 : i32
      %cond3A_54 = arith.cmpi ne, %convert_element_type3A_52, %cond3A_53 : i32
      scf.if %cond3A_54 {
        %add3A_68 = arith.constant 1 : i32
        %add3A_69 = arith.addi %add3A_42, %add3A_68 : i32
        %mul3A_70 = arith.constant 16 : i32
        %mul3A_71 = arith.muli %add3A_69, %mul3A_70 : i32
        %get3A_72 = arith.index_cast %mul3A_71 : i32 to index
        %get3A_73 = tpu.vector_load %arg5[%get3A_72] {strides = array<i32>} : memref<256xi32, #tpu.memory_space<vmem>>, vector<16xi32>,
        %get3A_74 = vector.shape_cast %get3A_73 : vector<16xi32> to vector<16xi32>
        %dma_start3A_75 = arith.constant 0 : i32
        %dma_start3A_76 = arith.constant 0 : i32
        %dma_start3A_77 = tpu.memref_slice %arg2[%dma_start3A_75, %dma_start3A_76] : memref<256x2048xf32, #tpu.memory_space<hbm>> -> memref<256x2048xf32, #tpu.memory_space<hbm>>
        tpu.enqueue_indirect_dma source(%dma_start3A_77 : memref<256x2048xf32, #tpu.memory_space<hbm>>) target(%arg6 : memref<16x2048xf32, #tpu.memory_space<vmem>>) offsets(%get3A_74 : vector<16xi32>) semaphore(%arg8 : memref<!tpu.dma_semaphore, #tpu.memory_space<semaphore_mem>>)
      } else {
      }
      %get3A_55 = arith.constant 0 : index
      %get3A_56 = tpu.vector_load %arg5[%get3A_55] {strides = array<i32>} : memref<256xi32, #tpu.memory_space<vmem>>, vector<16xi32>,
      %get3A_57 = vector.shape_cast %get3A_56 : vector<16xi32> to vector<16xi32>
      %dma_wait3A_58 = arith.constant 0 : i32
      %dma_wait3A_59 = arith.constant 0 : i32
      %dma_wait3A_60 = tpu.memref_slice %arg2[%dma_wait3A_58, %dma_wait3A_59] : memref<256x2048xf32, #tpu.memory_space<hbm>> -> memref<256x2048xf32, #tpu.memory_space<hbm>>
      tpu.wait_indirect_dma semaphore(%arg9 : memref<!tpu.dma_semaphore, #tpu.memory_space<semaphore_mem>>) src(%dma_wait3A_60 : memref<256x2048xf32, #tpu.memory_space<hbm>>) dst(%arg7 : memref<16x2048xf32, #tpu.memory_space<vmem>>)
      %mul3A_61 = arith.constant 16 : i32
      %mul3A_62 = arith.muli %add3A_42, %mul3A_61 : i32
      %add3A_63 = arith.addi %mul3A_2, %mul3A_62 : i32
      %dma_start3A_64 = arith.constant 0 : i32
      %dma_start3A_65 = tpu.memref_slice %arg4[%add3A_63, %dma_start3A_64] : memref<16384x2048xf32, #tpu.memory_space<hbm>> -> memref<16x2048xf32, #tpu.memory_space<hbm>>
      %dma_start3A_66 = arith.constant 0 : i32
      %dma_start3A_67 = tpu.memref_slice %arg4[%add3A_63, %dma_start3A_66] : memref<16384x2048xf32, #tpu.memory_space<hbm>> -> memref<16x2048xf32, #tpu.memory_space<hbm>>
      tpu.enqueue_dma source(%arg7 : memref<16x2048xf32, #tpu.memory_space<vmem>>) target(%dma_start3A_67 : memref<16x2048xf32, #tpu.memory_space<hbm>>) target_semaphore(%arg11 : memref<!tpu.dma_semaphore, #tpu.memory_space<semaphore_mem>>)
    }
    %scan3A_11 = arith.constant 8 : i32
    %dma_wait3A = arith.constant 0 : i32
    %dma_wait3A_12 = tpu.memref_slice %arg4[%mul3A_2, %dma_wait3A] : memref<16384x2048xf32, #tpu.memory_space<hbm>> -> memref<16x2048xf32, #tpu.memory_space<hbm>>
    %dma_wait3A_13 = arith.constant 0 : i32
    %dma_wait3A_14 = tpu.memref_slice %arg4[%mul3A_2, %dma_wait3A_13] : memref<16384x2048xf32, #tpu.memory_space<hbm>> -> memref<16x2048xf32, #tpu.memory_space<hbm>>
    tpu.wait_dma2 semaphore(%arg11 : memref<!tpu.dma_semaphore, #tpu.memory_space<semaphore_mem>>) src(%arg7 : memref<16x2048xf32, #tpu.memory_space<vmem>>) dst(%dma_wait3A_14 : memref<16x2048xf32, #tpu.memory_space<hbm>>)
    return
  }
}

module attributes {stable_mosaic.version = 14 : i64} {
  func.func @_tc_body(%arg0: i32, %arg1: memref<16384x2048xf32, #tpu.memory_space<any>>, %arg2: memref<1x1x1024xi32, #tpu.memory_space<vmem>>, %arg3: memref<256x2048xbf16, #tpu.memory_space<vmem>>, %arg4: memref<1024x2048xf32, #tpu.memory_space<vmem>>) attributes {dimension_semantics = [#tpu.dimension_semantics<arbitrary>], iteration_bounds = array<i64: 8>, scalar_prefetch = 0 : i64, scratch_operands = 0 : i64, tpu.core_type = #tpu.core_type<tc>, window_params = [{}, {transform_indices = @transform_1, window_bounds = array<i64: 1, 1, 1024>}, {pipeline_mode = #tpu.pipeline_mode<synchronous>, transform_indices = @transform_2, window_bounds = array<i64: 256, 2048>}, {transform_indices = @transform_3, window_bounds = array<i64: 1024, 2048>}]} {
    %get3A = arith.constant 0 : index
    %get3A_0 = arith.constant 0 : index
    %get3A_1 = arith.constant 0 : index
    %get3A_2 = vector.load %arg2[%get3A, %get3A_0, %get3A_1] : memref<1x1x1024xi32, #tpu.memory_space<vmem>>, vector<1x1x1024xi32>
    %get3A_3 = vector.shape_cast %get3A_2 : vector<1x1x1024xi32> to vector<1024xi32>
    %reshape3A = vector.shape_cast %get3A_3 : vector<1024xi32> to vector<1024x1xi32>
    %iota3A = tpu.iota {dimensions = array<i32: 1>} : vector<1024x256xi32>
    %eq3A = vector.broadcast %reshape3A : vector<1024x1xi32> to vector<1024x256xi32>
    %eq3A_4 = arith.cmpi eq, %eq3A, %iota3A : vector<1024x256xi32>
    %convert_element_type3A = arith.extui %eq3A_4 : vector<1024x256xi1> to vector<1024x256xi32>
    %convert_element_type3A_5 = arith.sitofp %convert_element_type3A : vector<1024x256xi32> to vector<1024x256xf32>
    %convert_element_type3A_6 = arith.truncf %convert_element_type3A_5 : vector<1024x256xf32> to vector<1024x256xbf16>
    %get3A_7 = arith.constant 0 : index
    %get3A_8 = arith.constant 0 : index
    %get3A_9 = vector.load %arg3[%get3A_7, %get3A_8] : memref<256x2048xbf16, #tpu.memory_space<vmem>>, vector<256x2048xbf16>
    %dot_general3A = arith.constant dense<0.000000e+00> : vector<1024x2048xf32>
    %dot_general3A_10 = tpu.matmul %convert_element_type3A_6, %get3A_9, %dot_general3A {dimension_numbers = #tpu.dot_dimension_numbers<[1], [0], [0], [1], [0, 0, 1, 1], [], []>, transpose_lhs_hint = false} : vector<1024x256xbf16>, vector<256x2048xbf16>, vector<1024x2048xf32> -> vector<1024x2048xf32>
    %swap3A = arith.constant 0 : index
    %swap3A_11 = arith.constant 0 : index
    %swap3A_12 = vector.load %arg4[%swap3A, %swap3A_11] : memref<1024x2048xf32, #tpu.memory_space<vmem>>, vector<1024x2048xf32>
    tpu.vector_store %arg4[%swap3A, %swap3A_11], %dot_general3A_10 {strides = array<i32>} : memref<1024x2048xf32, #tpu.memory_space<vmem>>, vector<1024x2048xf32>,
    return
  }
  func.func @transform_1(%arg0: i32) -> (i32, i32, i32) {
    %add3A = arith.constant 8 : i32
    %add3A_0 = arith.addi %arg0, %add3A : i32
    %c0_i32 = arith.constant 0 : i32
    %c0_i32_1 = arith.constant 0 : i32
    %c0_i32_2 = arith.constant 0 : i32
    return %add3A_0, %c0_i32, %c0_i32_1 : i32, i32, i32
  }
  func.func @transform_2(%arg0: i32) -> (i32, i32) {
    %c0_i32 = arith.constant 0 : i32
    %c0_i32_0 = arith.constant 0 : i32
    %c0_i32_1 = arith.constant 0 : i32
    return %c0_i32, %c0_i32_0 : i32, i32
  }
  func.func @transform_3(%arg0: i32) -> (i32, i32) {
    %add3A = arith.constant 8 : i32
    %add3A_0 = arith.addi %arg0, %add3A : i32
    %c0_i32 = arith.constant 0 : i32
    %c0_i32_1 = arith.constant 0 : i32
    return %add3A_0, %c0_i32 : i32, i32
  }
}

module attributes {stable_mosaic.version = 14 : i64} {
  func.func @_prescale_body(%arg0: memref<256x2048xf32, #tpu.memory_space<vmem>>, %arg1: memref<256x2048xf32, #tpu.memory_space<vmem>>, %arg2: memref<256x2048xbf16, #tpu.memory_space<vmem>>) attributes {dimension_semantics = [], scalar_prefetch = 0 : i64, scratch_operands = 0 : i64, tpu.core_type = #tpu.core_type<tc>} {
    %iota3A = tpu.iota {dimensions = array<i32: 0>} : vector<256x2048xi32>
    %eq3A = arith.constant 0 : i32
    %eq3A_0 = vector.broadcast %eq3A : i32 to vector<256x2048xi32>
    %eq3A_1 = arith.cmpi eq, %iota3A, %eq3A_0 : vector<256x2048xi32>
    %get3A = arith.constant 0 : index
    %get3A_2 = arith.constant 0 : index
    %get3A_3 = vector.load %arg0[%get3A, %get3A_2] : memref<256x2048xf32, #tpu.memory_space<vmem>>, vector<256x2048xf32>
    %mul3A = arith.constant 45.2548332 : f32
    %mul3A_4 = vector.broadcast %mul3A : f32 to vector<256x2048xf32>
    %mul3A_5 = arith.mulf %get3A_3, %mul3A_4 : vector<256x2048xf32>
    %jit3A = arith.constant 0.000000e+00 : f32
    %broadcast_in_dim3A = vector.broadcast %jit3A : f32 to vector<256x2048xf32>
    %select_n3A = arith.select %eq3A_1, %broadcast_in_dim3A, %mul3A_5 : vector<256x2048xi1>, vector<256x2048xf32>
    %swap3A = arith.constant 0 : index
    %swap3A_6 = arith.constant 0 : index
    %swap3A_7 = vector.load %arg1[%swap3A, %swap3A_6] : memref<256x2048xf32, #tpu.memory_space<vmem>>, vector<256x2048xf32>
    tpu.vector_store %arg1[%swap3A, %swap3A_6], %select_n3A {strides = array<i32>} : memref<256x2048xf32, #tpu.memory_space<vmem>>, vector<256x2048xf32>,
    %convert_element_type3A = arith.truncf %select_n3A : vector<256x2048xf32> to vector<256x2048xbf16>
    %swap3A_8 = arith.constant 0 : index
    %swap3A_9 = arith.constant 0 : index
    %swap3A_10 = vector.load %arg2[%swap3A_8, %swap3A_9] : memref<256x2048xbf16, #tpu.memory_space<vmem>>, vector<256x2048xbf16>
    tpu.vector_store %arg2[%swap3A_8, %swap3A_9], %convert_element_type3A {strides = array<i32>} : memref<256x2048xbf16, #tpu.memory_space<vmem>>, vector<256x2048xbf16>,
    return
  }
}

</mosaic_0001>

<sc_bundles>
// kernel: kernel.5.cloned.1.call-start
scs
__scs_entry_jumppad:
0x0: {  	(pc) =	sbr.rel $0x88, $3  }
0x1: {  	(tag) =	ssettag $0x0;
	lr =	simm.s32 $0x1  }
0x2: {  	[smem:$0x3F9F] =	sst lr;
	_ =	strace $0xD0000000  }
0x3: {  	_ = 	snop  }
0x4: {  	_ = 	snop  }
0x5: {  	_ = 	snop  }
0x6: {  	_ = 	snop  }
0x7: {  	_ = 	snop  }
__scs_overlays_trampoline_lowered:
0x8: {  	[smem:$0x3FAE] =	sst s0  }
0x9: {  	[smem:$0x3FAF] =	sst s1  }
0xa: {  	[smem:$0x3FB0] =	sst s2  }
0xb: {  	[smem:$0x3FB1] =	sst s3  }
0xc: {  	[smem:$0x3FB2] =	sst s4  }
0xd: {  	[smem:$0x3FB3] =	sst s5  }
0xe: {  	[smem:$0x3FB4] =	sst s6  }
0xf: {  	[smem:$0x3FB5] =	sst s7  }
0x10: {  	[smem:$0x3FB6] =	sst s8  }
0x11: {  	[smem:$0x3FB7] =	sst s9;
	s0 =	simm.s32 @!p0 $0x0  }
0x12: {  	s1 =	sld [smem:$0x3F9D];
	s0 =	simm.s32 @p0 $0x1  }
0x13: {  	[smem:$0x3FB8] =	sst s0;
	s0 =	simm.s32 @!p1 $0x0  }
0x14: {  	s2 =	sld [smem:$0x3F9C];
	s0 =	simm.s32 @p1 $0x1  }
0x15: {  	[smem:$0x3FB9] =	sst s0;
	s0 =	simm.s32 @!p2 $0x0  }
0x16: {  	s3 =	sld [smem:$0x3FDB];
	s0 =	simm.s32 @p2 $0x1  }
0x17: {  	s4 =	simm.s32 $0x1BF5;
	[smem:$0x3FBB] =	sst s0  }
0x18: {  	s0 =	sld [smem:$0x3F9E];
	_ =	swait.ge [sflag:s4], $0x0  }
0x19: {  	s7 =	sld [smem:$0x3F9F]  }
0x1a: {  	s8 =	sadd.s32 $0xFFFFE003, lr  }
0x1b: {  	s9 =	sadd.s32 $0xFFFFFEF7, lr;
	s5 =	simm.s32 $0xFFFFFFFF;
	p2 =	slt.u32 s8, $0xFFFFF086  }
0x1c: {  	p1 =	slt.u32 s9, $0xF7A;
	s5 =	simm.s32 @!p2 $0x0  }
0x1d: {  	s5 =	simm.s32 @p1 $0x1;
	p0 =	seq.s32 s7, s2  }
0x1e: {  	s7 =	smul.u32 @!p0 $0xF7A, s2;
	p2 =	seq.s32 @!p0 s5, $0x0  }
0x1f: {  	s9 =	smul.u32 $0xF7A, s1;
	s8 =	simm.s32 @!p0 $0x1BF5;
	p2 =	por !p2, p0  }
0x20: {  	[sflag:s8] =	ssyncset.s32 @!p0 $0xFFFFF086;
	s6 =	sadd.s32 @!p0 s3, s7;
	s7 =	simm.s32 @!p0 $0x108  }
0x21: {  	s3 =	sadd.s32 s3, s9;
	s6 =	sadd.s32 @!p0 $0x88, s6;
	s7 =	simm.s32 @p2 $0x1082  }
0x22: {  	[simem:s7], [sflag:s8] =	dma.local @!p0 [hbm:s6], $0xF7A  }
0x23: {  	s9 =	sor.u32 $0xD0000000, s2;
	s6 =	simm.s32 $0x108;
	_ =	swait.ge @!p0 [sflag:s8], $0x0  }
0x24: {  	s3 =	sadd.s32 $0x88, s3;
	s6 =	simm.s32 @!p1 $0x1082;
	[sflag:s4] =	ssyncset.s32 $0xFFFFF086  }
0x25: {  	[simem:s6], [sflag:s4] =	dma.local [hbm:s3], $0xF7A  }
0x26: {  	[smem:$0x3F9F] =	sst s1;
	(tag) =	ssettag s2;
	_ =	strace s9  }
0x27: {  	s1 =	sld [smem:$0x3FAF]  }
0x28: {  	s2 =	sld [smem:$0x3FB0]  }
0x29: {  	s4 =	sld [smem:$0x3FB2]  }
0x2a: {  	p0 =	seq.s32 s5, $0x0;
	s5 =	sld [smem:$0x3FB3]  }
0x2b: {  	s6 =	sld [smem:$0x3FB4]  }
0x2c: {  	s7 =	sld [smem:$0x3FB5]  }
0x2d: {  	s3 =	simm.s32 $0x108;
	s8 =	sld [smem:$0x3FB6]  }
0x2e: {  	s3 =	simm.s32 @!p0 $0x1082;
	s9 =	sld [smem:$0x3FB7]  }
0x2f: {  	lr =	sadd.s32 s0, s3;
	s0 =	sld [smem:$0x3FAE]  }
0x30: {  	s3 =	sld [smem:$0x3FB1]  }
0x31: {  	[smem:$0x3FBA] =	sst s10  }
0x32: {  	s10 =	sld [smem:$0x3FB8];
	_ =	sdelay $0x3  }
0x33: {  	p0 =	seq.s32 s10, $0x1;
	s10 =	sld [smem:$0x3FBA];
	_ =	sdelay $0x3  }
0x34: {  	[smem:$0x3FBA] =	sst s10  }
0x35: {  	s10 =	sld [smem:$0x3FB9];
	_ =	sdelay $0x3  }
0x36: {  	p1 =	seq.s32 s10, $0x1;
	s10 =	sld [smem:$0x3FBA];
	_ =	sdelay $0x3  }
0x37: {  	[smem:$0x3FBA] =	sst s10  }
0x38: {  	s10 =	sld [smem:$0x3FBB]  }
0x39: {  	_ = 	snop;
	(pc) =	sbr.ind lr, $3  }
0x3a: {  	_ = 	snop  }
0x3b: {  	_ = 	snop  }
0x3c: {  	p2 =	seq.s32 s10, $0x1;
	s10 =	sld [smem:$0x3FBA]  }
0x3d: {  	_ =	shalt  }
0x3e: {  	_ =	shalt  }
0x3f: {  	_ =	shalt  }
0x40: {  	_ =	shalt  }
0x41: {  	_ =	shalt  }
0x42: {  	_ =	shalt  }
0x43: {  	_ =	shalt  }
0x44: {  	_ =	shalt  }
0x45: {  	_ =	shalt  }
0x46: {  	_ =	shalt  }
0x47: {  	_ =	shalt  }
0x48: {  	_ =	shalt  }
0x49: {  	_ =	shalt  }
0x4a: {  	_ =	shalt  }
0x4b: {  	_ =	shalt  }
0x4c: {  	_ =	shalt  }
0x4d: {  	_ =	shalt  }
0x4e: {  	_ =	shalt  }
0x4f: {  	_ =	shalt  }
0x50: {  	_ =	shalt  }
0x51: {  	_ =	shalt  }
0x52: {  	_ =	shalt  }
0x53: {  	_ =	shalt  }
0x54: {  	_ =	shalt  }
0x55: {  	_ =	shalt  }
0x56: {  	_ =	shalt  }
0x57: {  	_ =	shalt  }
0x58: {  	_ =	shalt  }
0x59: {  	_ =	shalt  }
0x5a: {  	_ =	shalt  }
0x5b: {  	_ =	shalt  }
0x5c: {  	_ =	shalt  }
0x5d: {  	_ =	shalt  }
0x5e: {  	_ =	shalt  }
0x5f: {  	_ =	shalt  }
0x60: {  	_ =	shalt  }
0x61: {  	_ =	shalt  }
0x62: {  	_ =	shalt  }
0x63: {  	_ =	shalt  }
0x64: {  	_ =	shalt  }
0x65: {  	_ =	shalt  }
0x66: {  	_ =	shalt  }
0x67: {  	_ =	shalt  }
0x68: {  	_ =	shalt  }
0x69: {  	_ =	shalt  }
0x6a: {  	_ =	shalt  }
0x6b: {  	_ =	shalt  }
0x6c: {  	_ =	shalt  }
0x6d: {  	_ =	shalt  }
0x6e: {  	_ =	shalt  }
0x6f: {  	_ =	shalt  }
0x70: {  	_ =	shalt  }
0x71: {  	_ =	shalt  }
0x72: {  	_ =	shalt  }
0x73: {  	_ =	shalt  }
0x74: {  	_ =	shalt  }
0x75: {  	_ =	shalt  }
0x76: {  	_ =	shalt  }
0x77: {  	_ =	shalt  }
0x78: {  	_ =	shalt  }
0x79: {  	_ =	shalt  }
0x7a: {  	_ =	shalt  }
0x7b: {  	_ =	shalt  }
0x7c: {  	_ =	shalt  }
0x7d: {  	_ =	shalt  }
0x7e: {  	_ =	shalt  }
0x7f: {  	_ =	shalt  }
0x80: {  	_ =	shalt  }
0x81: {  	_ =	shalt  }
0x82: {  	_ =	shalt  }
0x83: {  	_ =	shalt  }
0x84: {  	_ =	shalt  }
0x85: {  	_ =	shalt  }
0x86: {  	_ =	shalt  }
0x87: {  	_ =	shalt  }
.Lfunc_end0:
.L_simem_size_0:
called_computation_lowered:
.L_overlay_start_0:
0x88: {  	s2 =	sld [smem:$0x3FD9]  }
0x89: {  	s3 =	sld [smem:$0x3FFE];
	_ =	sdelay $0x1  }
0x8a: {  	s1 =	srdreg.scid  }
0x8b: {  	s0 =	sand.u32 $0x1, s1  }
0x8c: {  	s17 =	sshll.u32 s0, $0xA;
	s2 =	sadd.s32 s3, s2  }
0x8d: {  	s2 =	sadd.s32 s2, s17  }
0x8e: {  	[smem:$0x3FC6] =	sst s2  }
0x8f: {  	_ = 	snop  }
0x90: {  	s2 =	sld [smem:$0x3FD0];
	(tm) =	ssettm $0x1  }
0x91: {  	s18 =	sld [smem:$0x3FFB];
	_ =	sdelay $0x3  }
0x92: {  	_ =	strace s18  }
0x93: {  	s3 =	sld [smem:$0x3FFC];
	_ =	sdelay $0x3  }
0x94: {  	_ =	strace s3  }
0x95: {  	s3 =	sld [smem:$0x3FFD];
	_ =	sdelay $0x3  }
0x96: {  	_ =	strace s3  }
0x97: {  	_ =	strace $0x8FFFFFFF  }
0x98: {  	s19 =	sld [smem:$0x3FDB];
	_ =	sdelay $0x1  }
0x99: {  	s4 =	simm.s32 $_scs_section_size  }
0x9a: {  	s5 =	simm.s32 $_size__tile_overlayer_lowered;
	s6 =	simm.s32 $_tile_overlayer_lowered  }
0x9b: {  	s22 =	simm.s32 $0x1BFF;
	s21 =	sshll.u32 s6, $0x1;
	s3 =	sadd.s32 s4, s19  }
0x9c: {  	s7 =	simm.s32 $0x0;
	s20 =	sshll.u32 s5, $0x1;
	s5 =	sadd.s32 s21, s3  }
0x9d: {  	[timem:s7], [sflag:s22] =	dma.local [hbm:s5], s20  }
0x9e: {  	_ =	swait.ge [sflag:s22], s20  }
0x9f: {  	s4 =	ssub.s32 $0x0, s20;
	[sflag:s22] =	ssyncset.done $0x0  }
0xa0: {  	[sflag:s22] =	ssyncadd.s32 s4;
	_ =	sdelay $0x1  }
0xa1: {  	s23 =	simm.s32 $0x1B8B  }
0xa2: {  	_ =	swait.ge [sflag:s23], $0x1  }
0xa3: {  	[sflag:s23] =	ssyncset.done $0x0  }
0xa4: {  	s25 =	simm.s32 $0x1B8E;
	s24 =	sld [smem:$0x3FFE];
	[sflag:s23] =	ssyncadd.s32 $0xFFFFFFFF  }
0xa5: {  	s26 =	simm.s32 $execute0_lowered;
	[smem:$0x3FD2] =	sst s25  }
0xa6: {  	s5 =	sshll.u32 s26, $0x1;
	_ =	strace $0x80000046;
	[dreg:$0x1] =	wrdreg $0xFFFFFFFF  }
0xa7: {  	s28 =	simm.s32 $_size_execute0_lowered;
	s3 =	sadd.s32 s3, s5;
	[dreg:$0x0] =	wrdreg $0x0  }
0xa8: {  	s5 =	sshll.u32 s28, $0x1;
	[dreg:$0x2] =	wrdreg s3  }
0xa9: {  	[dreg:$0x3] =	wrdreg s5  }
0xaa: {  	[dreg:$0x4] =	wrdreg $0xC0  }
0xab: {  	_ =	task [dreg:s7], $0x5FFFF  }
0xac: {  	[dreg:$0x1] =	wrdreg $0xFFFFFFFF  }
0xad: {  	[dreg:$0x0] =	wrdreg $0x60  }
0xae: {  	[dreg:$0x2] =	wrdreg s24  }
0xaf: {  	[dreg:$0x3] =	wrdreg s2  }
0xb0: {  	[dreg:$0x4] =	wrdreg $0x9  }
0xb1: {  	_ =	task.clear_ibuf [dreg:s7], $0x5FFFF;
	_ =	strace $0x90000046  }
0xb2: {  	s29 =	simm.s32 $0x9;
	_ =	strace $0x80000048  }
0xb3: {  	_ =	swait.ge [sflag:s29], $0x1  }
0xb4: {  	[sflag:s29] =	ssyncadd.s32 $0xFFFFFFFF  }
0xb5: {  	_ =	strace $0x90000048  }
0xb6: {  	_ =	sfence  }
0xb7: {  	s30 =	sld [smem:$0x0];
	_ =	sdelay $0x2  }
0xb8: {  	s31 =	sshll.u32 s1, $0xD;
	s1 =	sshrl.u32 s1, $0x2  }
0xb9: {  	s3 =	sand.u32 $0x4000, s31;
	s1 =	sadd.s32 s1, s30  }
0xba: {  	s0 =	sor.u32 s3, s0;
	s1 =	sshll.u32 s1, $0x11  }
0xbb: {  	s0 =	sor.u32 s1, s0  }
0xbc: {  	s0 =	sadd.s32 $0x8F2B, s0  }
0xbd: {  	[sflag:s0] =	ssyncadd.remote.s32 $0x1  }
0xbe: {  	_ =	sfence.sel $0xFFFF  }
0xbf: {  	[dreg:$0x0] =	wrdreg $0xFFFFFFFF;
	(pc) =	sbr.abs _section_cstart, $3  }
0xc0: {  	[dreg:$0x1] =	wrdreg $0xFFFFFFFF  }
0xc1: {  	_ =	task.clear_ibuf [dreg:s7], $0x2FFFF;
	_ =	strace $0x9FFFFFFF  }
0xc2: {  	(tm) =	ssettm $0x7FFFFFFF  }
0xc3: {  	_ =	shalt  }
tec
execute0_lowered:
.L_overlay_start_1:
0x0: {  	(tag) =	ssettag $0x1  }
0x1: {  	s0 =	srdreg.scid;
	s1 =	rddreg [dreg:$0x0]  }
0x2: {  	s7 =	stileid.u32;
	s8 =	rddreg [dreg:$0x1]  }
0x3: {  	s2 =	simm.s32 $0x0;
	s26 =	simm.s32 $0x8900;
	s13 =	simm.s32 $0x9100  }
0x4: {  	s14 =	simm.s32 $0x9900;
	s15 =	simm.s32 $0xA100;
	s16 =	simm.s32 $0xA900  }
0x5: {  	s17 =	simm.s32 $0xB100;
	s18 =	simm.s32 $0xB900;
	[smem:$0x7FF] =	sst s2  }
0x6: {  	s19 =	simm.s32 $0xC100;
	_ =	strace $0x80000047;
	[dreg:$0x4] =	wrdreg s26  }
0x7: {  	s20 =	simm.s32 $0xC900;
	s21 =	simm.s32 $0xD100;
	[dreg:$0x5] =	wrdreg s13  }
0x8: {  	s22 =	simm.s32 $0xD900;
	s23 =	simm.s32 $0xE100;
	[dreg:$0x6] =	wrdreg s14  }
0x9: {  	s24 =	simm.s32 $0xE900;
	s28 =	simm.s32 $0x6900;
	[dreg:$0x7] =	wrdreg s15  }
0xa: {  	s29 =	simm.s32 $0x7100;
	s30 =	simm.s32 $0x7900;
	[dreg:$0x8] =	wrdreg s16  }
0xb: {  	s31 =	simm.s32 $0x8100;
	s0 =	sand.u32 $0x1, s0;
	[dreg:$0x9] =	wrdreg s17  }
0xc: {  	s3 =	sshll.u32 s7, $0x9;
	s9 =	sshll.u32 s7, $0x11;
	[dreg:$0xa] =	wrdreg s18  }
0xd: {  	s7 =	sadd.s32 $0x1700, s1;
	s11 =	sadd.s32 $0x1B00, s1;
	[dreg:$0xb] =	wrdreg s19  }
0xe: {  	s4 =	sshll.u32 s0, $0x8;
	s25 =	ssub.s32 $0x2, s0;
	[dreg:$0xc] =	wrdreg s20  }
0xf: {  	s10 =	sadd.s32 s9, s8;
	s0 =	sshll.u32 s0, $0x10;
	[dreg:$0xd] =	wrdreg s21  }
0x10: {  	s8 =	sadd.s32 $0x1800, s1;
	s9 =	sadd.s32 $0x1900, s1;
	[dreg:$0xe] =	wrdreg s22  }
0x11: {  	s13 =	simm.s32 $0x5;
	s14 =	simm.s32 $0x100;
	[dreg:$0xf] =	wrdreg s23  }
0x12: {  	s23 =	simm.s32 $0x4900;
	[dreg:$0x10] =	wrdreg s24;
	s24 =	simm.s32 $0x5100  }
0x13: {  	s26 =	simm.s32 $0xF900;
	s15 =	simm.s32 $0x2;
	s16 =	simm.s32 $0x4  }
0x14: {  	s17 =	simm.s32 $0x0;
	s3 =	sor.u32 s4, s3;
	s6 =	sshrl.u32 s25, $0x1  }
0x15: {  	s0 =	sadd.s32 s0, s10;
	s10 =	sadd.s32 $0x1A00, s1;
	[dreg:$0x12] =	wrdreg s26  }
0x16: {  	s26 =	simm.s32 $0x6100;
	s3 =	sshrl.u32 s3, $0x3;
	s12 =	ssub.s32 s25, s6  }
0x17: {  	s6 =	sadd.s32 $0x1600, s1;
	[dreg:$0x3] =	wrdreg s0;
	s25 =	simm.s32 $0xF100  }
0x18: {  	v2 =	vlaneseq.u32;
	s0 =	simm.s32 $0x3;
	s5 =	sadd.s32 s3, s1;
	s3 =	sadd.s32 $0x1400, s1  }
0x19: {  	vm0 =	vmmov $0xffff;
	v1 =	vshrl.u32 v2, $0x3;
	s12 =	smax.u32 s12, $0x1;
	[dreg:$0x11] =	wrdreg s25;
	s25 =	simm.s32 $0x5900  }
0x1a: {  	v0 =	vand.u32 $0x7, v2;
	v2 =	vor.u32 $0x8, v2;
	v1 =	vmul.u32 $0x8, v1;
	s4 =	sadd.s32 $0x1000, s5;
	s5 =	sadd.s32 $0x1500, s1;
	s1 =	simm.s32 $0x1  }
.LBB2_1:
0x1b: {  	[tilespmem:s2], [sflag:$0x5] =	stream.linear.gather [hbm4b:s4+s2], $0x100, $0x38;
	[tilespmem:$0x10100] =	vst v63  }
0x1c: {  	_ =	swait.ge [sflag:s13], $0x100  }
0x1d: {  	[sflag:s13] =	ssyncset.done $0x0  }
0x1e: {  	[sflag:s13] =	ssyncadd.s32 $0xFFFFFF00  }
0x1f: {  	v3 =	vld [tilespmem:$0x0];
	_ =	sdelay $0x4  }
0x20: {  	v4 =	vshll.u32 v3, $0x4  }
0x21: {  	v3 =	vand.u32 $0x7, v3;
	v4 =	vand.u32 $0xFFFFFF80, v4  }
0x22: {  	v3 =	vor.u32 v3, v4  }
0x23: {  	v4 =	vperm.xlane v3, v0;
	_ =	sdelay $0x1  }
0x24: {  	v4 =	vadd.s32 v1, v4;
	_ =	sdelay $0x4  }
0x25: {  	[tilespmem:s14], [sflag:$0x1] =	stream.indirect_vreg.gather [hbm4b:s3+s2], $0x80, v4, vm0, $0xb8;
	[tilespmem:$0x10100] =	vst v63  }
0x26: {  	s18 =	simm.s32 $0x900  }
0x27: {  	[tilespmem:s18], [sflag:$0x1] =	stream.indirect_vreg.gather [hbm4b:s5+s2], $0x80, v4, vm0, $0xb8;
	[tilespmem:$0x10100] =	vst v63  }
0x28: {  	s20 =	simm.s32 $0x1100  }
0x29: {  	[tilespmem:s20], [sflag:$0x1] =	stream.indirect_vreg.gather [hbm4b:s6+s2], $0x80, v4, vm0, $0xb8;
	[tilespmem:$0x10100] =	vst v63  }
0x2a: {  	s21 =	simm.s32 $0x1900  }
0x2b: {  	[tilespmem:s21], [sflag:$0x1] =	stream.indirect_vreg.gather [hbm4b:s7+s2], $0x80, v4, vm0, $0xb8;
	[tilespmem:$0x10100] =	vst v63  }
0x2c: {  	s22 =	simm.s32 $0x2100  }
0x2d: {  	[tilespmem:s22], [sflag:$0x1] =	stream.indirect_vreg.gather [hbm4b:s8+s2], $0x80, v4, vm0, $0xb8;
	[tilespmem:$0x10100] =	vst v63  }
0x2e: {  	s19 =	simm.s32 $0x2900;
	v3 =	vperm.xlane v3, v2  }
0x2f: {  	[tilespmem:s19], [sflag:$0x1] =	stream.indirect_vreg.gather [hbm4b:s9+s2], $0x80, v4, vm0, $0xb8;
	[tilespmem:$0x10100] =	vst v63  }
0x30: {  	v3 =	vadd.s32 v1, v3;
	s20 =	simm.s32 $0x3100  }
0x31: {  	[tilespmem:s20], [sflag:$0x1] =	stream.indirect_vreg.gather [hbm4b:s10+s2], $0x80, v4, vm0, $0xb8;
	[tilespmem:$0x10100] =	vst v63  }
0x32: {  	s21 =	simm.s32 $0x3900  }
0x33: {  	[tilespmem:s21], [sflag:$0x1] =	stream.indirect_vreg.gather [hbm4b:s11+s2], $0x80, v4, vm0, $0xb8;
	[tilespmem:$0x10100] =	vst v63  }
0x34: {  	s22 =	simm.s32 $0x4100  }
0x35: {  	[tilespmem:s22], [sflag:$0x1] =	stream.indirect_vreg.gather [hbm4b:s3+s2], $0x80, v3, vm0, $0xb8;
	[tilespmem:$0x10100] =	vst v63  }
0x36: {  	_ = 	snop  }
0x37: {  	[tilespmem:s23], [sflag:$0x1] =	stream.indirect_vreg.gather [hbm4b:s5+s2], $0x80, v3, vm0, $0xb8;
	[tilespmem:$0x10100] =	vst v63  }
0x38: {  	_ = 	snop  }
0x39: {  	[tilespmem:s24], [sflag:$0x1] =	stream.indirect_vreg.gather [hbm4b:s6+s2], $0x80, v3, vm0, $0xb8;
	[tilespmem:$0x10100] =	vst v63  }
0x3a: {  	_ = 	snop  }
0x3b: {  	[tilespmem:s25], [sflag:$0x1] =	stream.indirect_vreg.gather [hbm4b:s7+s2], $0x80, v3, vm0, $0xb8;
	[tilespmem:$0x10100] =	vst v63  }
0x3c: {  	_ = 	snop  }
0x3d: {  	[tilespmem:s26], [sflag:$0x1] =	stream.indirect_vreg.gather [hbm4b:s8+s2], $0x80, v3, vm0, $0xb8;
	[tilespmem:$0x10100] =	vst v63  }
0x3e: {  	_ = 	snop  }
0x3f: {  	[tilespmem:s28], [sflag:$0x1] =	stream.indirect_vreg.gather [hbm4b:s9+s2], $0x80, v3, vm0, $0xb8;
	[tilespmem:$0x10100] =	vst v63  }
0x40: {  	_ = 	snop  }
0x41: {  	[tilespmem:s29], [sflag:$0x1] =	stream.indirect_vreg.gather [hbm4b:s10+s2], $0x80, v3, vm0, $0xb8;
	[tilespmem:$0x10100] =	vst v63  }
0x42: {  	s18 =	simm.s32 $0x20;
	s19 =	simm.s32 $0x0  }
0x43: {  	[tilespmem:s30], [sflag:$0x1] =	stream.indirect_vreg.gather [hbm4b:s11+s2], $0x80, v3, vm0, $0xb8;
	[tilespmem:$0x10100] =	vst v63  }
.LBB2_2:
0x44: {  	p0 =	seq.s32 s19, $0x0  }
0x45: {  	s20 =	simm.s32 @!p0 $0x4  }
0x46: {  	_ =	swait.ge @!p0 [sflag:s20], $0x8000  }
0x47: {  	[sflag:s20] =	ssyncset.done @!p0 $0x0  }
0x48: {  	[sflag:s20] =	ssyncadd.s32 @!p0 $0xFFFF8000  }
0x49: {  	v3 =	vld [tilespmem:s18+$0xFFFFFFF0];
	_ =	sdelay $0x4  }
0x4a: {  	v4 =	vshll.u32 v3, $0x4  }
0x4b: {  	v3 =	vand.u32 $0x7, v3;
	v4 =	vand.u32 $0xFFFFFF80, v4  }
0x4c: {  	v3 =	vor.u32 v3, v4  }
0x4d: {  	v4 =	vperm.xlane v3, v0;
	_ =	sdelay $0x1  }
0x4e: {  	v4 =	vadd.s32 v1, v4;
	_ =	sdelay $0x4  }
0x4f: {  	[tilespmem:s31], [sflag:$0x2] =	stream.indirect_vreg.gather [hbm4b:s3+s2], $0x80, v4, vm0, $0xb8;
	[tilespmem:$0x10100] =	vst v63  }
0x50: {  	s22 =	rddreg [dreg:$0x4]  }
0x51: {  	[tilespmem:s22], [sflag:$0x2] =	stream.indirect_vreg.gather [hbm4b:s5+s2], $0x80, v4, vm0, $0xb8;
	[tilespmem:$0x10100] =	vst v63  }
0x52: {  	s21 =	rddreg [dreg:$0x5]  }
0x53: {  	[tilespmem:s21], [sflag:$0x2] =	stream.indirect_vreg.gather [hbm4b:s6+s2], $0x80, v4, vm0, $0xb8;
	[tilespmem:$0x10100] =	vst v63  }
0x54: {  	s22 =	rddreg [dreg:$0x6]  }
0x55: {  	[tilespmem:s22], [sflag:$0x2] =	stream.indirect_vreg.gather [hbm4b:s7+s2], $0x80, v4, vm0, $0xb8;
	[tilespmem:$0x10100] =	vst v63  }
0x56: {  	s21 =	rddreg [dreg:$0x7]  }
0x57: {  	[tilespmem:s21], [sflag:$0x2] =	stream.indirect_vreg.gather [hbm4b:s8+s2], $0x80, v4, vm0, $0xb8;
	[tilespmem:$0x10100] =	vst v63  }
0x58: {  	v3 =	vperm.xlane v3, v2;
	s22 =	rddreg [dreg:$0x8]  }
0x59: {  	[tilespmem:s22], [sflag:$0x2] =	stream.indirect_vreg.gather [hbm4b:s9+s2], $0x80, v4, vm0, $0xb8;
	[tilespmem:$0x10100] =	vst v63  }
0x5a: {  	v3 =	vadd.s32 v1, v3;
	s21 =	rddreg [dreg:$0x9]  }
0x5b: {  	[tilespmem:s21], [sflag:$0x2] =	stream.indirect_vreg.gather [hbm4b:s10+s2], $0x80, v4, vm0, $0xb8;
	[tilespmem:$0x10100] =	vst v63  }
0x5c: {  	s22 =	rddreg [dreg:$0xa]  }
0x5d: {  	[tilespmem:s22], [sflag:$0x2] =	stream.indirect_vreg.gather [hbm4b:s11+s2], $0x80, v4, vm0, $0xb8;
	[tilespmem:$0x10100] =	vst v63  }
0x5e: {  	s21 =	rddreg [dreg:$0xb]  }
0x5f: {  	[tilespmem:s21], [sflag:$0x2] =	stream.indirect_vreg.gather [hbm4b:s3+s2], $0x80, v3, vm0, $0xb8;
	[tilespmem:$0x10100] =	vst v63  }
0x60: {  	s22 =	rddreg [dreg:$0xc]  }
0x61: {  	[tilespmem:s22], [sflag:$0x2] =	stream.indirect_vreg.gather [hbm4b:s5+s2], $0x80, v3, vm0, $0xb8;
	[tilespmem:$0x10100] =	vst v63  }
0x62: {  	s21 =	rddreg [dreg:$0xd]  }
0x63: {  	[tilespmem:s21], [sflag:$0x2] =	stream.indirect_vreg.gather [hbm4b:s6+s2], $0x80, v3, vm0, $0xb8;
	[tilespmem:$0x10100] =	vst v63  }
0x64: {  	s22 =	rddreg [dreg:$0xe]  }
0x65: {  	[tilespmem:s22], [sflag:$0x2] =	stream.indirect_vreg.gather [hbm4b:s7+s2], $0x80, v3, vm0, $0xb8;
	[tilespmem:$0x10100] =	vst v63  }
0x66: {  	s21 =	rddreg [dreg:$0xf]  }
0x67: {  	[tilespmem:s21], [sflag:$0x2] =	stream.indirect_vreg.gather [hbm4b:s8+s2], $0x80, v3, vm0, $0xb8;
	[tilespmem:$0x10100] =	vst v63  }
0x68: {  	s22 =	rddreg [dreg:$0x10]  }
0x69: {  	[tilespmem:s22], [sflag:$0x2] =	stream.indirect_vreg.gather [hbm4b:s9+s2], $0x80, v3, vm0, $0xb8;
	[tilespmem:$0x10100] =	vst v63  }
0x6a: {  	s21 =	rddreg [dreg:$0x11]  }
0x6b: {  	[tilespmem:s21], [sflag:$0x2] =	stream.indirect_vreg.gather [hbm4b:s10+s2], $0x80, v3, vm0, $0xb8;
	[tilespmem:$0x10100] =	vst v63  }
0x6c: {  	s22 =	rddreg [dreg:$0x12]  }
0x6d: {  	[tilespmem:s22], [sflag:$0x2] =	stream.indirect_vreg.gather [hbm4b:s11+s2], $0x80, v3, vm0, $0xb8;
	[tilespmem:$0x10100] =	vst v63  }
0x6e: {  	_ =	swait.ge [sflag:s1], $0x8000  }
0x6f: {  	s22 =	rddreg [dreg:$0x3];
	[sflag:s1] =	ssyncset.done $0x0  }
0x70: {  	[sflag:s1] =	ssyncadd.s32 $0xFFFF8000;
	s20 =	sadd.s32 s19, s22  }
0x71: {  	[hbm4b:s20+s2] =	stream.linear.scatter [tilespmem:s14], [sflag:$0x3], $0x8000, $0x38;
	[tilespmem:$0x10100] =	vst v63  }
0x72: {  	_ =	swait.ge [sflag:s0], $0x8000  }
0x73: {  	[sflag:s0] =	ssyncset.done $0x0  }
0x74: {  	p0 =	seq.s32 s19, $0xE000;
	[sflag:s0] =	ssyncadd.s32 $0xFFFF8000  }
0x75: {  	v3 =	vld @!p0 [tilespmem:s18+$0x0];
	_ =	sdelay $0x4  }
0x76: {  	v4 =	vshll.u32 @!p0 v3, $0x4  }
0x77: {  	v5 =	vlaneseq.u32 @!p0;
	v3 =	vand.u32 @!p0 $0x7, v3;
	v4 =	vand.u32 @!p0 $0xFFFFFF80, v4  }
0x78: {  	v6 =	vshrl.u32 @!p0 v5, $0x3;
	v3 =	vor.u32 @!p0 v3, v4;
	v4 =	vand.u32 @!p0 $0x7, v5  }
0x79: {  	v6 =	vmul.u32 @!p0 $0x8, v6;
	v4 =	vperm.xlane @!p0 v3, v4;
	_ =	sdelay $0x1  }
0x7a: {  	v4 =	vadd.s32 @!p0 v6, v4;
	_ =	sdelay $0x3  }
0x7b: {  	vm1 =	vmmov @!p0 $0xffff;
	s21 =	simm.s32 @!p0 $0x0;
	s22 =	simm.s32 @!p0 $0x100  }
0x7c: {  	[tilespmem:s22], [sflag:$0x1] =	stream.indirect_vreg.gather @!p0 [hbm4b:s3+s21], $0x80, v4, vm1, $0xb8;
	[tilespmem:$0x10100] =	vst v63  }
0x7d: {  	s22 =	simm.s32 @!p0 $0x900  }
0x7e: {  	[tilespmem:s22], [sflag:$0x1] =	stream.indirect_vreg.gather @!p0 [hbm4b:s5+s21], $0x80, v4, vm1, $0xb8;
	[tilespmem:$0x10100] =	vst v63  }
0x7f: {  	s22 =	simm.s32 @!p0 $0x1100  }
0x80: {  	[tilespmem:s22], [sflag:$0x1] =	stream.indirect_vreg.gather @!p0 [hbm4b:s6+s21], $0x80, v4, vm1, $0xb8;
	[tilespmem:$0x10100] =	vst v63  }
0x81: {  	s22 =	simm.s32 @!p0 $0x1900  }
0x82: {  	[tilespmem:s22], [sflag:$0x1] =	stream.indirect_vreg.gather @!p0 [hbm4b:s7+s21], $0x80, v4, vm1, $0xb8;
	[tilespmem:$0x10100] =	vst v63  }
0x83: {  	s22 =	simm.s32 @!p0 $0x2100  }
0x84: {  	v5 =	vor.u32 @!p0 $0x8, v5;
	[tilespmem:s22], [sflag:$0x1] =	stream.indirect_vreg.gather @!p0 [hbm4b:s8+s21], $0x80, v4, vm1, $0xb8;
	[tilespmem:$0x10100] =	vst v63  }
0x85: {  	v3 =	vperm.xlane @!p0 v3, v5;
	s22 =	simm.s32 @!p0 $0x2900  }
0x86: {  	[tilespmem:s22], [sflag:$0x1] =	stream.indirect_vreg.gather @!p0 [hbm4b:s9+s21], $0x80, v4, vm1, $0xb8;
	[tilespmem:$0x10100] =	vst v63  }
0x87: {  	v3 =	vadd.s32 @!p0 v6, v3;
	s22 =	simm.s32 @!p0 $0x3100  }
0x88: {  	[tilespmem:s22], [sflag:$0x1] =	stream.indirect_vreg.gather @!p0 [hbm4b:s10+s21], $0x80, v4, vm1, $0xb8;
	[tilespmem:$0x10100] =	vst v63  }
0x89: {  	s22 =	simm.s32 @!p0 $0x3900  }
0x8a: {  	[tilespmem:s22], [sflag:$0x1] =	stream.indirect_vreg.gather @!p0 [hbm4b:s11+s21], $0x80, v4, vm1, $0xb8;
	[tilespmem:$0x10100] =	vst v63  }
0x8b: {  	s22 =	simm.s32 @!p0 $0x4100  }
0x8c: {  	[tilespmem:s22], [sflag:$0x1] =	stream.indirect_vreg.gather @!p0 [hbm4b:s3+s21], $0x80, v3, vm1, $0xb8;
	[tilespmem:$0x10100] =	vst v63  }
0x8d: {  	s22 =	simm.s32 @!p0 $0x4900  }
0x8e: {  	[tilespmem:s22], [sflag:$0x1] =	stream.indirect_vreg.gather @!p0 [hbm4b:s5+s21], $0x80, v3, vm1, $0xb8;
	[tilespmem:$0x10100] =	vst v63  }
0x8f: {  	s22 =	simm.s32 @!p0 $0x5100  }
0x90: {  	[tilespmem:s22], [sflag:$0x1] =	stream.indirect_vreg.gather @!p0 [hbm4b:s6+s21], $0x80, v3, vm1, $0xb8;
	[tilespmem:$0x10100] =	vst v63  }
0x91: {  	s22 =	simm.s32 @!p0 $0x5900  }
0x92: {  	[tilespmem:s22], [sflag:$0x1] =	stream.indirect_vreg.gather @!p0 [hbm4b:s7+s21], $0x80, v3, vm1, $0xb8;
	[tilespmem:$0x10100] =	vst v63  }
0x93: {  	s22 =	simm.s32 @!p0 $0x6100  }
0x94: {  	[tilespmem:s22], [sflag:$0x1] =	stream.indirect_vreg.gather @!p0 [hbm4b:s8+s21], $0x80, v3, vm1, $0xb8;
	[tilespmem:$0x10100] =	vst v63  }
0x95: {  	s22 =	simm.s32 @!p0 $0x6900  }
0x96: {  	[tilespmem:s22], [sflag:$0x1] =	stream.indirect_vreg.gather @!p0 [hbm4b:s9+s21], $0x80, v3, vm1, $0xb8;
	[tilespmem:$0x10100] =	vst v63  }
0x97: {  	s22 =	simm.s32 @!p0 $0x7100  }
0x98: {  	[tilespmem:s22], [sflag:$0x1] =	stream.indirect_vreg.gather @!p0 [hbm4b:s10+s21], $0x80, v3, vm1, $0xb8;
	[tilespmem:$0x10100] =	vst v63  }
0x99: {  	s19 =	sadd.s32 $0x2000, s19;
	s22 =	simm.s32 @!p0 $0x7900  }
0x9a: {  	[tilespmem:s22], [sflag:$0x1] =	stream.indirect_vreg.gather @!p0 [hbm4b:s11+s21], $0x80, v3, vm1, $0xb8;
	[tilespmem:$0x10100] =	vst v63  }
0x9b: {  	p0 =	sne.s32 s19, $0x10000  }
.Ltmp0:
0x9c: {  	_ = 	snop;
	(pc) =	sbr.rel @p0 .LBB2_2-.Ltmp0, $4  }
0x9d: {  	_ =	swait.ge [sflag:s15], $0x8000  }
0x9e: {  	[sflag:s15] =	ssyncset.done $0x0  }
0x9f: {  	s20 =	sadd.s32 $0x1000, s20;
	s18 =	sadd.s32 $0x20, s18;
	[sflag:s15] =	ssyncadd.s32 $0xFFFF8000  }
0xa0: {  	[hbm4b:s20+s2] =	stream.linear.scatter [tilespmem:s31], [sflag:$0x4], $0x8000, $0x38;
	[tilespmem:$0x10100] =	vst v63  }
0xa1: {  	s17 =	sadd.s32 $0x1, s17  }
0xa2: {  	p0 =	sne.s32 s17, s12  }
.Ltmp1:
0xa3: {  	_ = 	snop;
	(pc) =	sbr.rel @p0 .LBB2_1-.Ltmp1, $4  }
0xa4: {  	_ = 	snop  }
0xa5: {  	_ =	swait.ge [sflag:s16], $0x8000  }
0xa6: {  	[sflag:s16] =	ssyncset.done $0x0  }
0xa7: {  	[sflag:s16] =	ssyncadd.s32 $0xFFFF8000  }
0xa8: {  	_ =	sfence.sel $0x180000  }
0xa9: {  	[bflag:$0x0] =	sbarrier.arrive $0xFFFF  }
0xaa: {  	_ =	strace $0x90000047  }
0xab: {  	s0 =	stileid.u32;
	[bflag:$0x2] =	sbarrier.arrive $0xFFFF  }
0xac: {  	p0 =	sne.s32 s0, $0x0;
	s0 =	rddreg [dreg:$0x2]  }
0xad: {  	s0 =	sadd.s32 @!p0 $0x100000, s0  }
0xae: {  	[sflag:s0] =	ssyncadd.tile.s32 @!p0 $0x1;
	_ =	shalt  }
.Lfunc_end2:
_tile_overlayer_lowered:
.L_overlay_start_2:
0xaf: {  	(tag) =	ssettag $0x2  }
0xb0: {  	s0 =	rddreg [dreg:$0x0];
	s2 =	stileid.u32  }
0xb1: {  	s1 =	rddreg [dreg:$0x1];
	p0 =	sne.s32 s2, $0x0  }
0xb2: {  	s3 =	rddreg [dreg:$0x2];
	[bflag:$0x3] =	sbarrier.arrive $0xFFFF;
	s2 =	simm.s32 @!p0 $0x1C05  }
0xb3: {  	[timem:s3], [sflag:s2] =	dma.local @!p0 [hbm:s0], s1  }
0xb4: {  	s0 =	simm.s32 @!p0 $0x5  }
0xb5: {  	_ =	swait.ge @!p0 [sflag:s0], s1  }
0xb6: {  	s1 =	ssub.s32 @!p0 $0x0, s1;
	[sflag:s0] =	ssyncset.done @!p0 $0x0  }
0xb7: {  	[sflag:s0] =	ssyncadd.s32 @!p0 s1  }
0xb8: {  	[bflag:$0x3] =	sbarrier.arrive $0xFFFF  }
0xb9: {  	_ =	shalt  }

</sc_bundles>
